<compile_context>
chip_gen: v7x
topology: tpu7x:2x2x1
jax: 0.10.2.dev20260603
libtpu: 0.0.44.dev20260713+nightly
codegen_flags: <defaults>
</compile_context>

<pallas_src>
import functools

import jax
import jax.numpy as jnp
from jax import lax
from jax.experimental import pallas as pl

_B, _C, _N, _D = 64, 3, 16384, 64
_K = 64
_R2 = 0.2 * 0.2
_S = 128
_NEG = -3.0e38


def _ball_max_kernel(d2_ref, xyz_ref, pts_ref, out_ref):
    x = xyz_ref[0]
    d2 = d2_ref[0]
    m = jnp.logical_not(d2 > _R2)
    mf = jnp.where(m, 1.0, 0.0).astype(jnp.float32)

    iota = lax.broadcasted_iota(jnp.int32, (_S, _S), 0)
    iota_t = lax.broadcasted_iota(jnp.int32, (_S, _S), 1)
    incl = jnp.where(iota <= iota_t, 1.0, 0.0).astype(jnp.float32)
    strict = jnp.where(iota_t < iota, 1.0, 0.0).astype(jnp.float32)
    inrow = lax.dot_general(mf, incl, (((1,), (0,)), ((), ())),
                            precision=lax.Precision.HIGHEST)
    rowsum = inrow[:, _S - 1:_S]
    rowpre = lax.dot_general(strict, rowsum, (((1,), (0,)), ((), ())),
                             precision=lax.Precision.HIGHEST)
    rank = inrow + rowpre
    sel = jnp.logical_and(m, rank <= float(_K))

    total = rowpre[_S - 1, 0] + rowsum[_S - 1, 0]
    last = jnp.logical_and(iota == _S - 1, iota_t == _S - 1)
    sel = jnp.logical_or(sel, jnp.logical_and(total == 0.0, last))

    pts = pts_ref[0]
    ftmax = jnp.max(jnp.where(sel[None], pts, _NEG), axis=(1, 2))
    xyzmax = jnp.max(jnp.where(sel[None], x, _NEG), axis=(1, 2))
    row = jnp.concatenate(
        [xyzmax, ftmax, jnp.zeros((_S - _C - _D,), jnp.float32)])
    out_ref[0, 0] = row


def _ball_max(d2, xyz, points):
    d2r = d2.reshape(_B, _S, _S)
    xyzr = xyz.reshape(_B, _C, _S, _S)
    ptsr = points.reshape(_B, _D, _S, _S)
    out = pl.pallas_call(
        _ball_max_kernel,
        grid=(_B,),
        in_specs=[
            pl.BlockSpec((1, _S, _S), lambda b: (b, 0, 0)),
            pl.BlockSpec((1, _C, _S, _S), lambda b: (b, 0, 0, 0)),
            pl.BlockSpec((1, _D, _S, _S), lambda b: (b, 0, 0, 0)),
        ],
        out_specs=pl.BlockSpec((1, 1, _S), lambda b: (b, 0, 0)),
        out_shape=jax.ShapeDtypeStruct((_B, 1, _S), jnp.float32),
    )(d2r, xyzr, ptsr)
    return out


def kernel(xyz, points, query_pts):
    xyz_t = jnp.transpose(xyz, (0, 2, 1))
    new_q = query_pts.reshape(-1, 1, 3)
    sqrdists = -2.0 * jnp.matmul(new_q, jnp.transpose(xyz_t, (0, 2, 1)))
    sqrdists = sqrdists + jnp.sum(new_q ** 2, axis=-1)[..., None]
    sqrdists = sqrdists + jnp.sum(xyz_t ** 2, axis=-1)[:, None, :]
    out = _ball_max(sqrdists[:, 0, :], xyz, points)
    new_xyz = query_pts.reshape(-1, 1, 3)
    new_points = out[:, 0, :_C + _D]
    return (new_xyz, new_points)

# --- scband reference (transcript-rebuilt; emitter-appended) ---
"""Pipeline reference for scband-point-net-set-abstraction-11098195493385 (READ-ONLY COPY).

The authoritative reference and input builder live on the scoring server;
editing this copy changes nothing except your own understanding.
"""

import jax, jax.numpy as jnp
import numpy as np

RADIUS = 0.2
NSAMPLE = 64

B, C, N, D = 64, 3, 16384, 64

def setup_inputs(seed: int = 0) -> dict:
    key = jax.random.key(seed)
    k1, k2, k3 = jax.random.split(key, 3)
    xyz = jax.random.uniform(k1, (B, 3, N), dtype=jnp.float32)
    points = jax.random.normal(k2, (B, D, N), dtype=jnp.float32)
    query_pts = jax.random.uniform(k3, (B, 3), dtype=jnp.float32)
    return {"xyz": xyz, "points": points, "query_pts": query_pts}

def square_distance(src, dst):
    # src: [B, S, 3], dst: [B, M, 3] -> [B, S, M]
    dist = -2.0 * jnp.matmul(src, jnp.transpose(dst, (0, 2, 1)))
    dist = dist + jnp.sum(src ** 2, axis=-1)[..., None]
    dist = dist + jnp.sum(dst ** 2, axis=-1)[:, None, :]
    return dist

def reference(xyz, points, query_pts):
    # permute to channels-last, as in the torch forward
    xyz_t = jnp.transpose(xyz, (0, 2, 1))      # [B, N, 3]
    ft = jnp.transpose(points, (0, 2, 1))      # [B, N, D]
    new_xyz = query_pts.reshape(-1, 1, 3)      # [B, 1, 3]

    n = xyz_t.shape[1]
    # query_ball_point
    sqrdists = square_distance(new_xyz, xyz_t)             # [B, 1, N]
    group_idx = jnp.broadcast_to(jnp.arange(n, dtype=jnp.int64), sqrdists.shape)
    group_idx = jnp.where(sqrdists > RADIUS ** 2, n, group_idx)
    group_idx = jnp.sort(group_idx, axis=-1)[:, :, :NSAMPLE]  # [B, 1, nsample]
    group_first = jnp.broadcast_to(group_idx[:, :, 0:1], group_idx.shape)
    group_idx = jnp.where(group_idx == n, group_first, group_idx)
    idx = jnp.minimum(group_idx[:, 0, :], n - 1)             # [B, nsample], clamp empty-ball fallback

    # index_points (batched gather along N)
    grouped_xyz = jnp.take_along_axis(xyz_t, idx[:, :, None], axis=1)  # [B, nsample, 3]
    grouped_ft = jnp.take_along_axis(ft, idx[:, :, None], axis=1)      # [B, nsample, D]
    grouped_pts = jnp.concatenate([grouped_xyz, grouped_ft], axis=-1)  # [B, nsample, 3+D]

    # neighborhood max-pool (torch.max over the sample dim)
    new_points = jnp.max(grouped_pts, axis=1)  # [B, 3+D]
    return (new_xyz, new_points)

if __name__ == "__main__":
    import jax
    _d = setup_inputs()
    print(jax.jit(kernel)(*tuple(_d.values())))

</pallas_src>

<mosaic_0001>
module attributes {stable_mosaic.version = 14 : i64} {
  func.func @_ball_max_kernel(%arg0: i32, %arg1: memref<1x128x128xf32, #tpu.memory_space<vmem>>, %arg2: memref<1x3x128x128xf32, #tpu.memory_space<vmem>>, %arg3: memref<1x64x128x128xf32, #tpu.memory_space<vmem>>, %arg4: memref<1x1x128xf32, #tpu.memory_space<vmem>>) attributes {dimension_semantics = [#tpu.dimension_semantics<arbitrary>], iteration_bounds = array<i64: 64>, scalar_prefetch = 0 : i64, scratch_operands = 0 : i64, tpu.core_type = #tpu.core_type<tc>, window_params = [{transform_indices = @transform_0, window_bounds = array<i64: 1, 128, 128>}, {transform_indices = @transform_1, window_bounds = array<i64: 1, 3, 128, 128>}, {transform_indices = @transform_2, window_bounds = array<i64: 1, 64, 128, 128>}, {transform_indices = @transform_3, window_bounds = array<i64: 1, 1, 128>}]} {
    %get3A = arith.constant 0 : index
    %get3A_0 = arith.constant 0 : index
    %get3A_1 = arith.constant 0 : index
    %get3A_2 = arith.constant 0 : index
    %get3A_3 = vector.load %arg2[%get3A, %get3A_0, %get3A_1, %get3A_2] : memref<1x3x128x128xf32, #tpu.memory_space<vmem>>, vector<1x3x128x128xf32>
    %get3A_4 = vector.shape_cast %get3A_3 : vector<1x3x128x128xf32> to vector<3x128x128xf32>
    %get3A_5 = arith.constant 0 : index
    %get3A_6 = arith.constant 0 : index
    %get3A_7 = arith.constant 0 : index
    %get3A_8 = vector.load %arg1[%get3A_5, %get3A_6, %get3A_7] : memref<1x128x128xf32, #tpu.memory_space<vmem>>, vector<1x128x128xf32>
    %get3A_9 = vector.shape_cast %get3A_8 : vector<1x128x128xf32> to vector<128x128xf32>
    %gt3A = arith.constant 4.000000e-02 : f32
    %gt3A_10 = vector.broadcast %gt3A : f32 to vector<128x128xf32>
    %gt3A_11 = arith.cmpf ogt, %get3A_9, %gt3A_10 : vector<128x128xf32>
    %not3A = arith.constant dense<true> : vector<128x128xi1>
    %not3A_12 = arith.xori %gt3A_11, %not3A : vector<128x128xi1>
    %jit3A = arith.constant 1.000000e+00 : f32
    %jit3A_13 = arith.constant 0.000000e+00 : f32
    %broadcast_in_dim3A = vector.broadcast %jit3A : f32 to vector<128x128xf32>
    %broadcast_in_dim3A_14 = vector.broadcast %jit3A_13 : f32 to vector<128x128xf32>
    %select_n3A = arith.select %not3A_12, %broadcast_in_dim3A, %broadcast_in_dim3A_14 : vector<128x128xi1>, vector<128x128xf32>
    %iota3A = tpu.iota {dimensions = array<i32: 0>} : vector<128x128xi32>
    %iota3A_15 = tpu.iota {dimensions = array<i32: 1>} : vector<128x128xi32>
    %le3A = arith.cmpi sle, %iota3A, %iota3A_15 : vector<128x128xi32>
    %jit3A_16 = arith.constant 1.000000e+00 : f32
    %jit3A_17 = arith.constant 0.000000e+00 : f32
    %broadcast_in_dim3A_18 = vector.broadcast %jit3A_16 : f32 to vector<128x128xf32>
    %broadcast_in_dim3A_19 = vector.broadcast %jit3A_17 : f32 to vector<128x128xf32>
    %select_n3A_20 = arith.select %le3A, %broadcast_in_dim3A_18, %broadcast_in_dim3A_19 : vector<128x128xi1>, vector<128x128xf32>
    %lt3A = arith.cmpi slt, %iota3A_15, %iota3A : vector<128x128xi32>
    %jit3A_21 = arith.constant 1.000000e+00 : f32
    %jit3A_22 = arith.constant 0.000000e+00 : f32
    %broadcast_in_dim3A_23 = vector.broadcast %jit3A_21 : f32 to vector<128x128xf32>
    %broadcast_in_dim3A_24 = vector.broadcast %jit3A_22 : f32 to vector<128x128xf32>
    %select_n3A_25 = arith.select %lt3A, %broadcast_in_dim3A_23, %broadcast_in_dim3A_24 : vector<128x128xi1>, vector<128x128xf32>
    %dot_general3A = arith.constant dense<0.000000e+00> : vector<128x128xf32>
    %dot_general3A_26 = tpu.matmul %select_n3A, %select_n3A_20, %dot_general3A {dimension_numbers = #tpu.dot_dimension_numbers<[1], [0], [0], [1], [0, 0, 1, 1], [], []>, precision = #tpu.contract_precision<fp32>, transpose_lhs_hint = false} : vector<128x128xf32>, vector<128x128xf32>, vector<128x128xf32> -> vector<128x128xf32>
    %slice3A = vector.extract_strided_slice %dot_general3A_26 {offsets = [0, 127], sizes = [128, 1], strides = [1, 1]} : vector<128x128xf32> to vector<128x1xf32>
    %dot_general3A_27 = arith.constant dense<0.000000e+00> : vector<128x1xf32>
    %dot_general3A_28 = tpu.matmul %select_n3A_25, %slice3A, %dot_general3A_27 {dimension_numbers = #tpu.dot_dimension_numbers<[1], [0], [0], [1], [0, 0, 1, 1], [], []>, precision = #tpu.contract_precision<fp32>, transpose_lhs_hint = false} : vector<128x128xf32>, vector<128x1xf32>, vector<128x1xf32> -> vector<128x1xf32>
    %add3A = vector.broadcast %dot_general3A_28 : vector<128x1xf32> to vector<128x128xf32>
    %add3A_29 = arith.addf %dot_general3A_26, %add3A : vector<128x128xf32>
    %le3A_30 = arith.constant 6.400000e+01 : f32
    %le3A_31 = vector.broadcast %le3A_30 : f32 to vector<128x128xf32>
    %le3A_32 = arith.cmpf ole, %add3A_29, %le3A_31 : vector<128x128xf32>
    %and3A = arith.andi %not3A_12, %le3A_32 : vector<128x128xi1>
    %slice3A_33 = vector.extract_strided_slice %dot_general3A_28 {offsets = [127, 0], sizes = [1, 1], strides = [1, 1]} : vector<128x1xf32> to vector<1x1xf32>
    %squeeze3A = vector.extract %slice3A_33[0, 0] : f32 from vector<1x1xf32>
    %slice3A_34 = vector.extract_strided_slice %slice3A {offsets = [127, 0], sizes = [1, 1], strides = [1, 1]} : vector<128x1xf32> to vector<1x1xf32>
    %squeeze3A_35 = vector.extract %slice3A_34[0, 0] : f32 from vector<1x1xf32>
    %add3A_36 = arith.addf %squeeze3A, %squeeze3A_35 : f32
    %eq3A = arith.constant 127 : i32
    %eq3A_37 = vector.broadcast %eq3A : i32 to vector<128x128xi32>
    %eq3A_38 = arith.cmpi eq, %iota3A, %eq3A_37 : vector<128x128xi32>
    %eq3A_39 = arith.constant 127 : i32
    %eq3A_40 = vector.broadcast %eq3A_39 : i32 to vector<128x128xi32>
    %eq3A_41 = arith.cmpi eq, %iota3A_15, %eq3A_40 : vector<128x128xi32>
    %and3A_42 = arith.andi %eq3A_38, %eq3A_41 : vector<128x128xi1>
    %eq3A_43 = arith.constant 0.000000e+00 : f32
    %eq3A_44 = arith.cmpf oeq, %add3A_36, %eq3A_43 : f32
    %and3A_45 = vector.broadcast %eq3A_44 : i1 to vector<128x128xi1>
    %and3A_46 = arith.andi %and3A_45, %and3A_42 : vector<128x128xi1>
    %or3A = arith.ori %and3A, %and3A_46 : vector<128x128xi1>
    %get3A_47 = arith.constant 0 : index
    %get3A_48 = arith.constant 0 : index
    %get3A_49 = arith.constant 0 : index
    %get3A_50 = arith.constant 0 : index
    %get3A_51 = vector.load %arg3[%get3A_47, %get3A_48, %get3A_49, %get3A_50] : memref<1x64x128x128xf32, #tpu.memory_space<vmem>>, vector<1x64x128x128xf32>
    %get3A_52 = vector.shape_cast %get3A_51 : vector<1x64x128x128xf32> to vector<64x128x128xf32>
    %broadcast_in_dim3A_53 = vector.shape_cast %or3A : vector<128x128xi1> to vector<1x128x128xi1>
    %jit3A_54 = arith.constant -3.000000e+38 : f32
    %broadcast_in_dim3A_55 = vector.shape_cast %broadcast_in_dim3A_53 : vector<1x128x128xi1> to vector<1x128x128xi1>
    %broadcast_in_dim3A_56 = vector.broadcast %broadcast_in_dim3A_55 : vector<1x128x128xi1> to vector<64x128x128xi1>
    %broadcast_in_dim3A_57 = vector.broadcast %jit3A_54 : f32 to vector<64x128x128xf32>
    %select_n3A_58 = arith.select %broadcast_in_dim3A_56, %get3A_52, %broadcast_in_dim3A_57 : vector<64x128x128xi1>, vector<64x128x128xf32>
    %reduce_max3A = arith.constant dense<0xFF800000> : vector<64xf32>
    %reduce_max3A_59 = vector.multi_reduction <maximumf>, %select_n3A_58, %reduce_max3A [1, 2] : vector<64x128x128xf32> to vector<64xf32>
    %broadcast_in_dim3A_60 = vector.shape_cast %or3A : vector<128x128xi1> to vector<1x128x128xi1>
    %jit3A_61 = arith.constant -3.000000e+38 : f32
    %broadcast_in_dim3A_62 = vector.shape_cast %broadcast_in_dim3A_60 : vector<1x128x128xi1> to vector<1x128x128xi1>
    %broadcast_in_dim3A_63 = vector.broadcast %broadcast_in_dim3A_62 : vector<1x128x128xi1> to vector<3x128x128xi1>
    %broadcast_in_dim3A_64 = vector.broadcast %jit3A_61 : f32 to vector<3x128x128xf32>
    %select_n3A_65 = arith.select %broadcast_in_dim3A_63, %get3A_4, %broadcast_in_dim3A_64 : vector<3x128x128xi1>, vector<3x128x128xf32>
    %reduce_max3A_66 = arith.constant dense<0xFF800000> : vector<3xf32>
    %reduce_max3A_67 = vector.multi_reduction <maximumf>, %select_n3A_65, %reduce_max3A_66 [1, 2] : vector<3x128x128xf32> to vector<3xf32>
    %broadcast_in_dim3A_68 = arith.constant 0.000000e+00 : f32
    %broadcast_in_dim3A_69 = vector.broadcast %broadcast_in_dim3A_68 : f32 to vector<61xf32>
    %concatenate3A = tpu.concatenate %reduce_max3A_67, %reduce_max3A_59, %broadcast_in_dim3A_69 in 0 : vector<3xf32>, vector<64xf32>, vector<61xf32> -> vector<128xf32>
    %swap3A = arith.constant 0 : index
    %swap3A_70 = arith.constant 0 : index
    %swap3A_71 = arith.constant 0 : index
    %swap3A_72 = vector.load %arg4[%swap3A, %swap3A_70, %swap3A_71] : memref<1x1x128xf32, #tpu.memory_space<vmem>>, vector<1x1x128xf32>
    %swap3A_73 = vector.shape_cast %swap3A_72 : vector<1x1x128xf32> to vector<128xf32>
    %swap3A_74 = vector.shape_cast %concatenate3A : vector<128xf32> to vector<1x1x128xf32>
    tpu.vector_store %arg4[%swap3A, %swap3A_70, %swap3A_71], %swap3A_74 {strides = array<i32>} : memref<1x1x128xf32, #tpu.memory_space<vmem>>, vector<1x1x128xf32>,
    return
  }
  func.func @transform_0(%arg0: i32) -> (i32, i32, i32) {
    %c0_i32 = arith.constant 0 : i32
    %c0_i32_0 = arith.constant 0 : i32
    %c0_i32_1 = arith.constant 0 : i32
    return %arg0, %c0_i32, %c0_i32_0 : i32, i32, i32
  }
  func.func @transform_1(%arg0: i32) -> (i32, i32, i32, i32) {
    %c0_i32 = arith.constant 0 : i32
    %c0_i32_0 = arith.constant 0 : i32
    %c0_i32_1 = arith.constant 0 : i32
    %c0_i32_2 = arith.constant 0 : i32
    return %arg0, %c0_i32, %c0_i32_0, %c0_i32_1 : i32, i32, i32, i32
  }
  func.func @transform_2(%arg0: i32) -> (i32, i32, i32, i32) {
    %c0_i32 = arith.constant 0 : i32
    %c0_i32_0 = arith.constant 0 : i32
    %c0_i32_1 = arith.constant 0 : i32
    %c0_i32_2 = arith.constant 0 : i32
    return %arg0, %c0_i32, %c0_i32_0, %c0_i32_1 : i32, i32, i32, i32
  }
  func.func @transform_3(%arg0: i32) -> (i32, i32, i32) {
    %c0_i32 = arith.constant 0 : i32
    %c0_i32_0 = arith.constant 0 : i32
    %c0_i32_1 = arith.constant 0 : i32
    return %arg0, %c0_i32, %c0_i32_0 : i32, i32, i32
  }
}

</mosaic_0001>

<sc_bundles>
// kernel: sparse-core-data-format-call.cloned.1.call-start
scs
called_computation_lowered:
.L_overlay_start_0:
0x0: {  	s2 =	sld [smem:$0x3FD9]  }
0x1: {  	s3 =	sld [smem:$0x3FFE];
	_ =	sdelay $0x1  }
0x2: {  	s1 =	srdreg.scid  }
0x3: {  	s0 =	sand.u32 $0x1, s1  }
0x4: {  	s18 =	sshll.u32 s0, $0xA;
	s2 =	sadd.s32 s3, s2  }
0x5: {  	s2 =	sadd.s32 s2, s18  }
0x6: {  	[smem:$0x3FC5] =	sst s2  }
0x7: {  	_ = 	snop  }
0x8: {  	s2 =	sld [smem:$0x3FC8];
	(tm) =	ssettm $0x1  }
0x9: {  	s19 =	sld [smem:$0x3FFB];
	_ =	sdelay $0x3  }
0xa: {  	_ =	strace s19  }
0xb: {  	s3 =	sld [smem:$0x3FFC];
	_ =	sdelay $0x3  }
0xc: {  	_ =	strace s3  }
0xd: {  	s3 =	sld [smem:$0x3FFD];
	_ =	sdelay $0x3  }
0xe: {  	_ =	strace s3  }
0xf: {  	_ =	strace $0x8FFFFFFF  }
0x10: {  	s20 =	sld [smem:$0x3FDB];
	_ =	sdelay $0x1  }
0x11: {  	s4 =	simm.s32 $_scs_section_size  }
0x12: {  	s5 =	simm.s32 $_size__tile_overlayer_lowered;
	s6 =	simm.s32 $_tile_overlayer_lowered  }
0x13: {  	s23 =	simm.s32 $0x1BFF;
	s22 =	sshll.u32 s6, $0x1;
	s3 =	sadd.s32 s4, s20  }
0x14: {  	s7 =	simm.s32 $0x0;
	s21 =	sshll.u32 s5, $0x1;
	s5 =	sadd.s32 s22, s3  }
0x15: {  	[timem:s7], [sflag:s23] =	dma.local [hbm:s5], s21  }
0x16: {  	_ =	swait.ge [sflag:s23], s21  }
0x17: {  	s4 =	ssub.s32 $0x0, s21;
	[sflag:s23] =	ssyncset.done $0x0  }
0x18: {  	[sflag:s23] =	ssyncadd.s32 s4;
	_ =	sdelay $0x1  }
0x19: {  	s24 =	simm.s32 $0x1B8B  }
0x1a: {  	_ =	swait.ge [sflag:s24], $0x1  }
0x1b: {  	[sflag:s24] =	ssyncset.done $0x0  }
0x1c: {  	s26 =	simm.s32 $0x1B8E;
	s25 =	sld [smem:$0x3FFE];
	[sflag:s24] =	ssyncadd.s32 $0xFFFFFFFF  }
0x1d: {  	s27 =	simm.s32 $execute0_lowered;
	[smem:$0x3FD2] =	sst s26  }
0x1e: {  	s5 =	sshll.u32 s27, $0x1;
	_ =	strace $0x80000046;
	[dreg:$0x1] =	wrdreg $0xFFFFFFFF  }
0x1f: {  	s28 =	simm.s32 $_size_execute0_lowered;
	s3 =	sadd.s32 s3, s5;
	[dreg:$0x0] =	wrdreg $0x0  }
0x20: {  	s5 =	sshll.u32 s28, $0x1;
	[dreg:$0x2] =	wrdreg s3  }
0x21: {  	[dreg:$0x3] =	wrdreg s5  }
0x22: {  	[dreg:$0x4] =	wrdreg $0xC0  }
0x23: {  	_ =	task [dreg:s7], $0x5FFFF  }
0x24: {  	[dreg:$0x1] =	wrdreg $0xFFFFFFFF  }
0x25: {  	[dreg:$0x0] =	wrdreg $0x60  }
0x26: {  	[dreg:$0x2] =	wrdreg s2  }
0x27: {  	[dreg:$0x3] =	wrdreg s25  }
0x28: {  	[dreg:$0x4] =	wrdreg $0x9  }
0x29: {  	_ =	task.clear_ibuf [dreg:s7], $0x5FFFF;
	_ =	strace $0x90000046  }
0x2a: {  	s29 =	simm.s32 $0x9;
	_ =	strace $0x80000048  }
0x2b: {  	_ =	swait.ge [sflag:s29], $0x1  }
0x2c: {  	[sflag:s29] =	ssyncadd.s32 $0xFFFFFFFF  }
0x2d: {  	_ =	strace $0x90000048  }
0x2e: {  	_ =	sfence  }
0x2f: {  	s30 =	sld [smem:$0x0];
	_ =	sdelay $0x2  }
0x30: {  	s31 =	sshll.u32 s1, $0xD;
	s1 =	sshrl.u32 s1, $0x2  }
0x31: {  	s3 =	sand.u32 $0x4000, s31;
	s1 =	sadd.s32 s1, s30  }
0x32: {  	s0 =	sor.u32 s3, s0;
	s1 =	sshll.u32 s1, $0x11  }
0x33: {  	s0 =	sor.u32 s1, s0  }
0x34: {  	s0 =	sadd.s32 $0x8F2B, s0  }
0x35: {  	[sflag:s0] =	ssyncadd.remote.s32 $0x1  }
0x36: {  	_ =	sfence.sel $0xFFFF  }
0x37: {  	[dreg:$0x0] =	wrdreg $0xFFFFFFFF;
	(pc) =	sbr.abs _section_cstart, $3  }
0x38: {  	[dreg:$0x1] =	wrdreg $0xFFFFFFFF  }
0x39: {  	_ =	task.clear_ibuf [dreg:s7], $0x2FFFF;
	_ =	strace $0x9FFFFFFF  }
0x3a: {  	(tm) =	ssettm $0x7FFFFFFF  }
0x3b: {  	_ =	shalt  }
tec
execute0_lowered:
.L_overlay_start_1:
0x0: {  	(tag) =	ssettag $0x1  }
0x1: {  	s2 =	rddreg [dreg:$0x0]  }
0x2: {  	s1 =	rddreg [dreg:$0x1]  }
0x3: {  	s0 =	rddreg [dreg:$0x2];
	_ =	strace $0x80000047;
	s4 =	srdreg.scid  }
0x4: {  	s6 =	simm.s32 $0x2;
	s11 =	simm.s32 $0x0;
	p0 =	por $0x0, $0x0  }
.Ltmp0:
0x5: {  	s7 =	simm.s32 $0x4000;
	s12 =	simm.s32 $0x0;
	(pc) =	sbr.rel .LBB1_1-.Ltmp0, $4  }
0x6: {  	s9 =	simm.s32 $0x0;
	s3 =	sadd.s32 $0x800, s1;
	s5 =	sshll.u32 s4, $0x4  }
0x7: {  	s1 =	stileid.u32;
	s4 =	simm.s32 $0x1;
	s5 =	sand.u32 $0x10, s5  }
0x8: {  	s8 =	simm.s32 $0x0;
	[sflag:s4] =	ssyncpa.u1 $0x0;
	s5 =	sor.u32 s1, s5  }
0x9: {  	[sflag:s6] =	ssyncpa.u1 $0x0;
	s6 =	simm.s32 $0x800;
	s10 =	smov.u32 s5  }
.LBB1_7:
0xa: {  	s13 =	sadd.s32 $0x10, s9  }
0xb: {  	s11 =	sadd.s32 $0x20, s10;
	s15 =	smov.u32 s10;
	p2 =	sgt.s32 s13, $0x7F  }
0xc: {  	p1 =	slt.u32 s8, $0x2;
	s15 =	smov.u32 @p2 s11  }
0xd: {  	s8 =	sadd.s32 $0x1, s8;
	s13 =	simm.s32 @p2 $0x0;
	p2 =	sgt.s32 s15, $0x1FF  }
0xe: {  	s15 =	smov.u32 @p2 s5;
	p2 =	sne.s32 s8, $0x82  }
.Ltmp1:
0xf: {  	_ = 	snop;
	(pc) =	sbr.rel @!p2 .LBB1_8-.Ltmp1, $4  }
0x10: {  	s14 =	simm.s32 @!p1 $0x2  }
0x11: {  	s12 =	smov.u32 s10;
	_ =	swait.ge @!p1 [sflag:s14], $0x4000  }
0x12: {  	p0 =	por !p0, !p0;
	s11 =	smov.u32 s9;
	[sflag:s14] =	ssyncset.done @!p1 $0x0  }
0x13: {  	s9 =	smov.u32 s13;
	[sflag:s14] =	ssyncadd.s32 @!p1 $0xFFFFC000;
	s10 =	smov.u32 s15  }
.LBB1_1:
0x14: {  	p1 =	sgt.u32 s8, $0x7F  }
0x15: {  	s13 =	sxor.u32 @!p1 $0xFFFFFFFF, s8;
	s14 =	sshll.u32 @!p1 s10, $0xE  }
0x16: {  	s15 =	sshll.u32 @!p1 s9, $0x7;
	s13 =	sshll.u32 @!p1 s13, $0xE;
	s14 =	sadd.s32 @!p1 s2, s14  }
0x17: {  	s13 =	sand.u32 @!p1 $0x4000, s13;
	s14 =	sadd.s32 @!p1 s15, s14;
	s15 =	simm.s32 @!p1 $0x0  }
0x18: {  	[tilespmem:s13], [sflag:$0x1] =	stream.linear.gather @!p1 [hbm4b:s14+s15], $0x4000, $0x38;
	[tilespmem:$0x10000] =	vst v63  }
0x19: {  	p1 =	seq.s32 s8, $0x0  }
0x1a: {  	p2 =	seq.s32 @!p1 s8, $0x81  }
0x1b: {  	p1 =	por p1, p2  }
.Ltmp2:
0x1c: {  	_ = 	snop;
	(pc) =	sbr.rel @p1 .LBB1_7-.Ltmp2, $1  }
0x1d: {  	_ =	sdelay $0x3  }
0x1e: {  	s13 =	simm.s32 $0x1;
	_ =	swait.ge [sflag:s4], $0x4000;
	s16 =	sshll.u32 s8, $0xE  }
0x1f: {  	s13 =	simm.s32 @!p0 $0x0;
	[sflag:s4] =	ssyncset.done $0x0;
	s31 =	sand.u32 $0x4000, s16  }
0x20: {  	s16 =	simm.s32 $0x0;
	s14 =	sshll.u32 s13, $0xE;
	[sflag:s4] =	ssyncadd.s32 $0xFFFFC000  }
0x21: {  	s13 =	sor.u32 $0x8040, s14;
	s15 =	sor.u32 $0x40, s14;
	s14 =	sor.u32 $0x8000, s31  }
.LBB1_3:
0x22: {  	v0 =	vmov s15;
	_ =	sdelay $0x3  }
0x23: {  	s18 =	simm.s32 $0x0  }
0x24: {  	v6 =	vld.idx.msk [tilespmem:v0+s18+$0x30 ss:$0x1], $0xffff  }
0x25: {  	v7 =	vld.idx.msk [tilespmem:v0+s18+$0xFFFFFFC0 ss:$0x1], $0xffff  }
0x26: {  	v5 =	vld.idx.msk [tilespmem:v0+s18+$0xFFFFFFD0 ss:$0x1], $0xffff  }
0x27: {  	v4 =	vld.idx.msk [tilespmem:v0+s18+$0xFFFFFFE0 ss:$0x1], $0xffff  }
0x28: {  	v3 =	vld.idx.msk [tilespmem:v0+s18+$0xFFFFFFF0 ss:$0x1], $0xffff  }
0x29: {  	v1 =	vld.idx.msk [tilespmem:v0+s18+$0x0 ss:$0x1], $0xffff  }
0x2a: {  	v2 =	vld.idx.msk [tilespmem:v0+s18+$0x10 ss:$0x1], $0xffff;
	[tilespmem:s13+$0x30] =	vst v6  }
0x2b: {  	s17 =	simm.s32 $0x80;
	s19 =	simm.s32 $0x400;
	[tilespmem:s13+$0xFFFFFFC0] =	vst v7;
	v6 =	vld.idx.msk [tilespmem:v0+s18+$0x20 ss:$0x1], $0xffff;
	s18 =	smov.u32 s13  }
.LBB1_4:
0x2c: {  	p1 =	sne.s32 s19, $0xE00;
	v7 =	vld.idx.msk [tilespmem:v0+s17+$0x30 ss:$0x1], $0xffff;
	[tilespmem:s18+$0xFFFFFFD0] =	vst v5  }
0x2d: {  	v8 =	vld.idx.msk [tilespmem:v0+s17+$0xFFFFFFC0 ss:$0x1], $0xffff;
	[tilespmem:s18+$0xFFFFFFE0] =	vst v4  }
0x2e: {  	v5 =	vld.idx.msk [tilespmem:v0+s17+$0xFFFFFFD0 ss:$0x1], $0xffff;
	[tilespmem:s18+$0xFFFFFFF0] =	vst v3  }
.Ltmp3:
0x2f: {  	v4 =	vld.idx.msk [tilespmem:v0+s17+$0xFFFFFFE0 ss:$0x1], $0xffff;
	[tilespmem:s18+$0x0] =	vst v1;
	(pc) =	sbr.rel @p1 .LBB1_4-.Ltmp3, $4  }
0x30: {  	v3 =	vld.idx.msk [tilespmem:v0+s17+$0xFFFFFFF0 ss:$0x1], $0xffff;
	[tilespmem:s18+$0x10] =	vst v2  }
0x31: {  	v1 =	vld.idx.msk [tilespmem:v0+s17+$0x0 ss:$0x1], $0xffff;
	[tilespmem:s18+$0x20] =	vst v6;
	s18 =	sadd.s32 $0x800, s18  }
0x32: {  	v2 =	vld.idx.msk [tilespmem:v0+s17+$0x10 ss:$0x1], $0xffff;
	[tilespmem:s18+$0x30] =	vst v7  }
0x33: {  	[tilespmem:s18+$0xFFFFFFC0] =	vst v8;
	v6 =	vld.idx.msk [tilespmem:v0+s17+$0x20 ss:$0x1], $0xffff;
	s17 =	sshra.s32 s19, $0x2;
	s19 =	sadd.s32 $0x200, s19  }
0x34: {  	_ =	sdelay $0x2  }
0x35: {  	[tilespmem:s18+$0xFFFFFFD0] =	vst v5  }
0x36: {  	v56 =	vld.idx.msk [tilespmem:v0+s17+$0x30 ss:$0x1], $0xffff;
	[tilespmem:s18+$0xFFFFFFE0] =	vst v4  }
0x37: {  	v57 =	vld.idx.msk [tilespmem:v0+s17+$0xFFFFFFC0 ss:$0x1], $0xffff;
	[tilespmem:s18+$0xFFFFFFF0] =	vst v3  }
0x38: {  	v58 =	vld.idx.msk [tilespmem:v0+s17+$0xFFFFFFD0 ss:$0x1], $0xffff;
	[tilespmem:s18+$0x0] =	vst v1  }
0x39: {  	v59 =	vld.idx.msk [tilespmem:v0+s17+$0xFFFFFFE0 ss:$0x1], $0xffff;
	[tilespmem:s18+$0x10] =	vst v2  }
0x3a: {  	v60 =	vld.idx.msk [tilespmem:v0+s17+$0xFFFFFFF0 ss:$0x1], $0xffff;
	s31 =	sadd.s32 $0x800, s18;
	[tilespmem:s18+$0x20] =	vst v6  }
0x3b: {  	v61 =	vld.idx.msk [tilespmem:v0+s17+$0x0 ss:$0x1], $0xffff;
	[tilespmem:s31+$0x30] =	vst v56  }
0x3c: {  	v62 =	vld.idx.msk [tilespmem:v0+s17+$0x10 ss:$0x1], $0xffff;
	s16 =	sadd.s32 $0x1, s16;
	[tilespmem:s31+$0xFFFFFFC0] =	vst v57  }
0x3d: {  	v63 =	vld.idx.msk [tilespmem:v0+s17+$0x20 ss:$0x1], $0xffff;
	p1 =	sne.s32 s16, $0x10;
	[tilespmem:s31+$0xFFFFFFD0] =	vst v58  }
.Ltmp4:
0x3e: {  	[tilespmem:s31+$0xFFFFFFE0] =	vst v59;
	(pc) =	sbr.rel @p1 .LBB1_3-.Ltmp4, $4  }
0x3f: {  	[tilespmem:s31+$0xFFFFFFF0] =	vst v60  }
0x40: {  	[tilespmem:s31+$0x0] =	vst v61  }
0x41: {  	[tilespmem:s31+$0x10] =	vst v62  }
0x42: {  	s13 =	sadd.s32 $0x80, s13;
	s15 =	sadd.s32 $0x400, s15;
	[tilespmem:s31+$0x20] =	vst v63  }
.Ltmp5:
0x43: {  	(pc) =	sbr.rel .LBB1_7-.Ltmp5, $4  }
0x44: {  	s12 =	sshll.u32 s12, $0xE;
	s11 =	sshll.u32 s11, $0x4  }
0x45: {  	s11 =	sand.u32 $0x7F0, s11;
	s12 =	sadd.s32 s3, s12  }
0x46: {  	s11 =	sadd.s32 s11, s12  }
0x47: {  	[hbm4b:s11+s6] =	stream.strided.scatter [tilespmem:s14], [sflag:$0x2], $0x4000, s7, s6, $0x38;
	[tilespmem:$0x10000] =	vst v63  }
.LBB1_8:
0x48: {  	_ =	sfence.sel $0x180000  }
0x49: {  	s2 =	simm.s32 $0x1;
	[bflag:$0x0] =	sbarrier.arrive $0xFFFF  }
0x4a: {  	s31 =	simm.s32 $0x2;
	[sflag:s2] =	ssyncpa.u1 $0x1  }
0x4b: {  	[sflag:s31] =	ssyncpa.u1 $0x1  }
0x4c: {  	p0 =	sne.s32 s1, $0x0;
	_ =	strace $0x90000047  }
0x4d: {  	s0 =	sadd.s32 @!p0 $0x100000, s0;
	[bflag:$0x2] =	sbarrier.arrive $0xFFFF  }
0x4e: {  	[sflag:s0] =	ssyncadd.tile.s32 @!p0 $0x1;
	_ =	shalt  }
.Lfunc_end1:
_tile_overlayer_lowered:
.L_overlay_start_2:
0x4f: {  	(tag) =	ssettag $0x2  }
0x50: {  	s0 =	rddreg [dreg:$0x0];
	s2 =	stileid.u32  }
0x51: {  	s1 =	rddreg [dreg:$0x1];
	p0 =	sne.s32 s2, $0x0  }
0x52: {  	s3 =	rddreg [dreg:$0x2];
	[bflag:$0x3] =	sbarrier.arrive $0xFFFF;
	s2 =	simm.s32 @!p0 $0x1C01  }
0x53: {  	[timem:s3], [sflag:s2] =	dma.local @!p0 [hbm:s0], s1  }
0x54: {  	s0 =	simm.s32 @!p0 $0x1  }
0x55: {  	_ =	swait.ge @!p0 [sflag:s0], s1  }
0x56: {  	s1 =	ssub.s32 @!p0 $0x0, s1;
	[sflag:s0] =	ssyncset.done @!p0 $0x0  }
0x57: {  	[sflag:s0] =	ssyncadd.s32 @!p0 s1  }
0x58: {  	[bflag:$0x3] =	sbarrier.arrive $0xFFFF  }
0x59: {  	_ =	shalt  }

</sc_bundles>
